<compile_context>
chip_gen: v7x
topology: tpu7x:2x2x1
jax: 0.10.2.dev20260603
libtpu: 0.0.44.dev20260713+nightly
codegen_flags: <defaults>
</compile_context>

<pallas_src>
import functools

import jax
import jax.numpy as jnp
from jax import lax
from jax.experimental import pallas as pl
from jax.experimental.pallas import tpu as pltpu
from jax.experimental.pallas import tpu_sc as plsc


def _gate_body(x_ref, wg_ref, bg_ref, idx_ref, rows_ref):
    N, E = idx_ref.shape[0], wg_ref.shape[1]
    logits = jnp.dot(x_ref[...], wg_ref[...], preferred_element_type=jnp.float32)
    logits = logits + bg_ref[...][None, :]
    m = jnp.max(logits, axis=-1, keepdims=True)
    p = jnp.exp(logits - m)
    p = p / jnp.sum(p, axis=-1, keepdims=True)
    pm = jnp.max(p, axis=-1, keepdims=True)
    lanes = jax.lax.broadcasted_iota(jnp.int32, p.shape, 1)
    idx = jnp.max(jnp.where(p >= pm, lanes, -1), axis=-1, keepdims=True)
    idx_ref[...] = idx
    col = jax.lax.broadcasted_iota(jnp.int32, (N, N), 1)
    rows_ref[...] = idx * N + col


def _expert_body(x_ref, we_ref, be_ref, tab_ref):
    e = pl.program_id(0)
    tab_ref[...] = (
        jnp.dot(x_ref[...], we_ref[0], preferred_element_type=jnp.float32)
        + be_ref[pl.ds(e, 1), :]
    )


def _make_sc_gather(B, D_FF, CHUNK):
    info = plsc.get_sparse_core_info()
    NC = info.num_cores
    NW = NC * info.num_subcores
    n_chunks = B // (NW * CHUNK)
    mesh = plsc.VectorSubcoreMesh(core_axis_name="c", subcore_axis_name="s")

    @functools.partial(
        pl.kernel,
        mesh=mesh,
        out_type=jax.ShapeDtypeStruct((B, D_FF), jnp.float32),
        scratch_types=[
            pltpu.VMEM((CHUNK,), jnp.int32),
            pltpu.VMEM((CHUNK, D_FF), jnp.float32),
            pltpu.SemaphoreType.DMA,
        ],
    )
    def sc_gather(tab_hbm, rows_hbm, out_hbm, idx_v, buf_v, sem):
        wid = lax.axis_index("s") * NC + lax.axis_index("c")

        def chunk_body(k, _):
            base = (wid * n_chunks + k) * CHUNK
            pltpu.sync_copy(rows_hbm.at[pl.ds(base, CHUNK)], idx_v)
            pltpu.async_copy(tab_hbm.at[idx_v], buf_v, sem).wait()
            pltpu.sync_copy(buf_v, out_hbm.at[pl.ds(base, CHUNK)])
            return 0

        lax.fori_loop(0, n_chunks, chunk_body, 0)

    return sc_gather


def kernel(x, W_gate, b_gate, W_experts, b_experts):
    N, D_MODEL = x.shape
    E = W_gate.shape[1]
    D_FF = W_experts.shape[2]
    B = N * N
    CHUNK = 128

    idx, rows = pl.pallas_call(
        _gate_body,
        out_shape=(
            jax.ShapeDtypeStruct((N, 1), jnp.int32),
            jax.ShapeDtypeStruct((N, N), jnp.int32),
        ),
    )(x, W_gate, b_gate)

    table = pl.pallas_call(
        _expert_body,
        grid=(E,),
        in_specs=[
            pl.BlockSpec((N, D_MODEL), lambda i: (0, 0)),
            pl.BlockSpec((1, D_MODEL, D_FF), lambda i: (i, 0, 0)),
            pl.BlockSpec((E, D_FF), lambda i: (0, 0)),
        ],
        out_specs=pl.BlockSpec((N, D_FF), lambda i: (i, 0)),
        out_shape=jax.ShapeDtypeStruct((E * N, D_FF), jnp.float32),
    )(x, W_experts, b_experts)

    sc_gather = _make_sc_gather(B, D_FF, CHUNK)
    out = sc_gather(table, rows.reshape(B))
    return out.reshape(N, N, D_FF)

# --- scband reference (transcript-rebuilt; emitter-appended) ---
"""Pipeline reference for scband-mo-elayer-7490422964895 (READ-ONLY COPY).

The authoritative reference and input builder live on the scoring server;
editing this copy changes nothing except your own understanding.
"""

import jax, jax.numpy as jnp
import numpy as np

N, D_MODEL, D_FF, E = 512, 768, 768, 8


def setup_inputs(seed: int = 0) -> dict:
    key = jax.random.key(seed)
    ks = jax.random.split(key, 4)
    x = jax.random.normal(ks[0], (N, D_MODEL), dtype=jnp.float32)
    W_gate = jax.random.normal(ks[1], (D_MODEL, E), dtype=jnp.float32) * (1.0 / np.sqrt(D_MODEL))
    b_gate = jnp.zeros((E,), dtype=jnp.float32)
    W_experts = jax.random.normal(ks[2], (E, D_MODEL, D_FF), dtype=jnp.float32) * (1.0 / np.sqrt(D_MODEL))
    b_experts = jnp.zeros((E, D_FF), dtype=jnp.float32)
    return {"x": x, "W_gate": W_gate, "b_gate": b_gate, "W_experts": W_experts, "b_experts": b_experts}


def reference(x, W_gate, b_gate, W_experts, b_experts):
    # gate = nn.Dense(num_experts)
    gate_logits = x @ W_gate + b_gate                      # (N, E)
    gate_probs = jax.nn.softmax(gate_logits, axis=-1)      # (N, E)
    top_k_indices = jnp.argsort(gate_probs, axis=-1)[:, -1:]  # (N, 1) top-1 expert per token
    # experts = [nn.Dense(d_ff) for _ in range(E)], applied to x and stacked on axis 0
    expert_outputs = jnp.einsum('nd,edf->enf', x, W_experts) + b_experts[:, None, :]  # (E, N, D_FF)
    # Faithful reproduction of the original advanced indexing:
    # indices (N,1) and (N,) broadcast to (N,N) -> output (N, N, D_FF)
    selected_outputs = expert_outputs[top_k_indices, jnp.arange(x.shape[0])]
    return selected_outputs

if __name__ == "__main__":
    import jax
    _d = setup_inputs()
    print(jax.jit(kernel)(*tuple(_d.values())))

</pallas_src>

<mosaic_0001>
#map = affine_map<(d0, d1) -> (0, 0)>
#map1 = affine_map<(d0, d1) -> (0)>
module attributes {stable_mosaic.version = 14 : i64} {
  func.func @sc_gather(%arg0: i32, %arg1: i32, %arg2: memref<4096x768xf32, #tpu.memory_space<hbm>>, %arg3: memref<262144xi32, #tpu.memory_space<hbm>>, %arg4: memref<262144x768xf32, #tpu.memory_space<hbm>>, %arg5: memref<128xi32, #tpu.memory_space<vmem>>, %arg6: memref<128x768xf32, #tpu.memory_space<vmem>>, %arg7: memref<!tpu.dma_semaphore, #tpu.memory_space<semaphore_mem>>) attributes {dimension_semantics = [#tpu.dimension_semantics<core_parallel>, #tpu.dimension_semantics<subcore_parallel>], iteration_bounds = array<i64: 2, 16>, scalar_prefetch = 0 : i64, scratch_operands = 3 : i64, tpu.core_type = #tpu.core_type<sc_vector_subcore>, window_params = [{transform_indices = #map}, {transform_indices = #map1}, {transform_indices = #map}]} {
    %mul3A = arith.constant 2 : i32
    %mul3A_0 = arith.muli %arg1, %mul3A : i32
    %add3A = arith.addi %mul3A_0, %arg0 : i32
    %scan3A = arith.constant 0 : i32
    %scan3A_1 = arith.constant 0 : i32
    %scan3A_2 = arith.constant 64 : i32
    %scan3A_3 = arith.addi %scan3A_1, %scan3A_2 : i32
    %scan3A_4 = arith.constant 1 : i32
    %scan3A_5 = scf.for %scan3A_7 = %scan3A_1 to %scan3A_3 step %scan3A_4 iter_args(%scan3A_8 = %scan3A) -> (i32)  : i32 {
      %mul3A_9 = arith.constant 64 : i32
      %mul3A_10 = arith.muli %add3A, %mul3A_9 : i32
      %add3A_11 = arith.addi %mul3A_10, %scan3A_7 : i32
      %mul3A_12 = arith.constant 128 : i32
      %mul3A_13 = arith.muli %add3A_11, %mul3A_12 : i32
      "tpu.region"() ({
        %run_scoped3A = tpu.sem_alloc : memref<!tpu.dma_semaphore, #tpu.memory_space<semaphore_mem>>
        %dma_start3A_19 = tpu.memref_slice %arg3[%mul3A_13] : memref<262144xi32, #tpu.memory_space<hbm>> -> memref<128xi32, #tpu.memory_space<hbm>>
        %dma_start3A_20 = tpu.memref_slice %arg3[%mul3A_13] : memref<262144xi32, #tpu.memory_space<hbm>> -> memref<128xi32, #tpu.memory_space<hbm>>
        tpu.enqueue_dma source(%dma_start3A_20 : memref<128xi32, #tpu.memory_space<hbm>>) target(%arg5 : memref<128xi32, #tpu.memory_space<vmem>>) target_semaphore(%run_scoped3A : memref<!tpu.dma_semaphore, #tpu.memory_space<semaphore_mem>>)
        %dma_wait3A_21 = tpu.memref_slice %arg3[%mul3A_13] : memref<262144xi32, #tpu.memory_space<hbm>> -> memref<128xi32, #tpu.memory_space<hbm>>
        %dma_wait3A_22 = tpu.memref_slice %arg3[%mul3A_13] : memref<262144xi32, #tpu.memory_space<hbm>> -> memref<128xi32, #tpu.memory_space<hbm>>
        tpu.wait_dma2 semaphore(%run_scoped3A : memref<!tpu.dma_semaphore, #tpu.memory_space<semaphore_mem>>) src(%dma_wait3A_22 : memref<128xi32, #tpu.memory_space<hbm>>) dst(%arg5 : memref<128xi32, #tpu.memory_space<vmem>>)
        tpu.yield
      }) : () -> ()
      %dma_start3A = arith.constant 0 : i32
      %dma_start3A_14 = arith.constant 0 : i32
      %dma_start3A_15 = tpu.memref_slice %arg2[%dma_start3A, %dma_start3A_14] : memref<4096x768xf32, #tpu.memory_space<hbm>> -> memref<4096x768xf32, #tpu.memory_space<hbm>>
      tpu.enqueue_indirect_dma source(%dma_start3A_15 : memref<4096x768xf32, #tpu.memory_space<hbm>>) target(%arg6 : memref<128x768xf32, #tpu.memory_space<vmem>>) offsets(%arg5 : memref<128xi32, #tpu.memory_space<vmem>>) semaphore(%arg7 : memref<!tpu.dma_semaphore, #tpu.memory_space<semaphore_mem>>)
      %dma_wait3A = arith.constant 0 : i32
      %dma_wait3A_16 = arith.constant 0 : i32
      %dma_wait3A_17 = tpu.memref_slice %arg2[%dma_wait3A, %dma_wait3A_16] : memref<4096x768xf32, #tpu.memory_space<hbm>> -> memref<4096x768xf32, #tpu.memory_space<hbm>>
      tpu.wait_indirect_dma semaphore(%arg7 : memref<!tpu.dma_semaphore, #tpu.memory_space<semaphore_mem>>) src(%dma_wait3A_17 : memref<4096x768xf32, #tpu.memory_space<hbm>>) dst(%arg6 : memref<128x768xf32, #tpu.memory_space<vmem>>)
      "tpu.region"() ({
        %run_scoped3A = tpu.sem_alloc : memref<!tpu.dma_semaphore, #tpu.memory_space<semaphore_mem>>
        %dma_start3A_19 = arith.constant 0 : i32
        %dma_start3A_20 = tpu.memref_slice %arg4[%mul3A_13, %dma_start3A_19] : memref<262144x768xf32, #tpu.memory_space<hbm>> -> memref<128x768xf32, #tpu.memory_space<hbm>>
        %dma_start3A_21 = arith.constant 0 : i32
        %dma_start3A_22 = tpu.memref_slice %arg4[%mul3A_13, %dma_start3A_21] : memref<262144x768xf32, #tpu.memory_space<hbm>> -> memref<128x768xf32, #tpu.memory_space<hbm>>
        tpu.enqueue_dma source(%arg6 : memref<128x768xf32, #tpu.memory_space<vmem>>) target(%dma_start3A_22 : memref<128x768xf32, #tpu.memory_space<hbm>>) target_semaphore(%run_scoped3A : memref<!tpu.dma_semaphore, #tpu.memory_space<semaphore_mem>>)
        %dma_wait3A_23 = arith.constant 0 : i32
        %dma_wait3A_24 = tpu.memref_slice %arg4[%mul3A_13, %dma_wait3A_23] : memref<262144x768xf32, #tpu.memory_space<hbm>> -> memref<128x768xf32, #tpu.memory_space<hbm>>
        %dma_wait3A_25 = arith.constant 0 : i32
        %dma_wait3A_26 = tpu.memref_slice %arg4[%mul3A_13, %dma_wait3A_25] : memref<262144x768xf32, #tpu.memory_space<hbm>> -> memref<128x768xf32, #tpu.memory_space<hbm>>
        tpu.wait_dma2 semaphore(%run_scoped3A : memref<!tpu.dma_semaphore, #tpu.memory_space<semaphore_mem>>) src(%arg6 : memref<128x768xf32, #tpu.memory_space<vmem>>) dst(%dma_wait3A_26 : memref<128x768xf32, #tpu.memory_space<hbm>>)
        tpu.yield
      }) : () -> ()
      %scan3A_18 = arith.constant 0 : i32
      scf.yield %scan3A_18 : i32
    }
    %scan3A_6 = arith.constant 64 : i32
    return
  }
}

module attributes {stable_mosaic.version = 14 : i64} {
  func.func @_gate_body(%arg0: memref<512x768xf32, #tpu.memory_space<vmem>>, %arg1: memref<768x8xf32, #tpu.memory_space<vmem>>, %arg2: memref<8xf32, #tpu.memory_space<vmem>>, %arg3: memref<512x1xi32, #tpu.memory_space<vmem>>, %arg4: memref<512x512xi32, #tpu.memory_space<vmem>>) attributes {dimension_semantics = [], scalar_prefetch = 0 : i64, scratch_operands = 0 : i64, tpu.core_type = #tpu.core_type<tc>} {
    %get3A = arith.constant 0 : index
    %get3A_0 = arith.constant 0 : index
    %get3A_1 = vector.load %arg0[%get3A, %get3A_0] : memref<512x768xf32, #tpu.memory_space<vmem>>, vector<512x768xf32>
    %get3A_2 = arith.constant 0 : index
    %get3A_3 = arith.constant 0 : index
    %get3A_4 = vector.load %arg1[%get3A_2, %get3A_3] : memref<768x8xf32, #tpu.memory_space<vmem>>, vector<768x8xf32>
    %dot_general3A = arith.constant dense<0.000000e+00> : vector<512x8xf32>
    %dot_general3A_5 = tpu.matmul %get3A_1, %get3A_4, %dot_general3A {dimension_numbers = #tpu.dot_dimension_numbers<[1], [0], [0], [1], [0, 0, 1, 1], [], []>, transpose_lhs_hint = false} : vector<512x768xf32>, vector<768x8xf32>, vector<512x8xf32> -> vector<512x8xf32>
    %get3A_6 = arith.constant 0 : index
    %get3A_7 = vector.load %arg2[%get3A_6] : memref<8xf32, #tpu.memory_space<vmem>>, vector<8xf32>
    %broadcast_in_dim3A = vector.shape_cast %get3A_7 : vector<8xf32> to vector<1x8xf32>
    %add3A = vector.broadcast %broadcast_in_dim3A : vector<1x8xf32> to vector<512x8xf32>
    %add3A_8 = arith.addf %dot_general3A_5, %add3A : vector<512x8xf32>
    %reduce_max3A = arith.constant dense<0xFF800000> : vector<512xf32>
    %reduce_max3A_9 = vector.multi_reduction <maximumf>, %add3A_8, %reduce_max3A [1] : vector<512x8xf32> to vector<512xf32>
    %broadcast_in_dim3A_10 = vector.shape_cast %reduce_max3A_9 : vector<512xf32> to vector<512x1xf32>
    %sub3A = vector.broadcast %broadcast_in_dim3A_10 : vector<512x1xf32> to vector<512x8xf32>
    %sub3A_11 = arith.subf %add3A_8, %sub3A : vector<512x8xf32>
    %exp3A = math.exp %sub3A_11 : vector<512x8xf32>
    %reduce_sum3A = arith.constant dense<0.000000e+00> : vector<512xf32>
    %reduce_sum3A_12 = vector.multi_reduction <add>, %exp3A, %reduce_sum3A [1] : vector<512x8xf32> to vector<512xf32>
    %broadcast_in_dim3A_13 = vector.shape_cast %reduce_sum3A_12 : vector<512xf32> to vector<512x1xf32>
    %div3A = vector.broadcast %broadcast_in_dim3A_13 : vector<512x1xf32> to vector<512x8xf32>
    %div3A_14 = arith.divf %exp3A, %div3A : vector<512x8xf32>
    %reduce_max3A_15 = arith.constant dense<0xFF800000> : vector<512xf32>
    %reduce_max3A_16 = vector.multi_reduction <maximumf>, %div3A_14, %reduce_max3A_15 [1] : vector<512x8xf32> to vector<512xf32>
    %broadcast_in_dim3A_17 = vector.shape_cast %reduce_max3A_16 : vector<512xf32> to vector<512x1xf32>
    %iota3A = tpu.iota {dimensions = array<i32: 1>} : vector<512x8xi32>
    %ge3A = vector.broadcast %broadcast_in_dim3A_17 : vector<512x1xf32> to vector<512x8xf32>
    %ge3A_18 = arith.cmpf oge, %div3A_14, %ge3A : vector<512x8xf32>
    %jit3A = arith.constant -1 : i32
    %broadcast_in_dim3A_19 = vector.broadcast %jit3A : i32 to vector<512x8xi32>
    %select_n3A = arith.select %ge3A_18, %iota3A, %broadcast_in_dim3A_19 : vector<512x8xi1>, vector<512x8xi32>
    %reduce_max3A_20 = arith.constant dense<-2147483648> : vector<512xi32>
    %reduce_max3A_21 = vector.multi_reduction <maxsi>, %select_n3A, %reduce_max3A_20 [1] : vector<512x8xi32> to vector<512xi32>
    %broadcast_in_dim3A_22 = vector.shape_cast %reduce_max3A_21 : vector<512xi32> to vector<512x1xi32>
    %swap3A = arith.constant 0 : index
    %swap3A_23 = arith.constant 0 : index
    %swap3A_24 = vector.load %arg3[%swap3A, %swap3A_23] : memref<512x1xi32, #tpu.memory_space<vmem>>, vector<512x1xi32>
    tpu.vector_store %arg3[%swap3A, %swap3A_23], %broadcast_in_dim3A_22 {strides = array<i32>} : memref<512x1xi32, #tpu.memory_space<vmem>>, vector<512x1xi32>,
    %iota3A_25 = tpu.iota {dimensions = array<i32: 1>} : vector<512x512xi32>
    %mul3A = arith.constant 512 : i32
    %mul3A_26 = vector.broadcast %mul3A : i32 to vector<512x1xi32>
    %mul3A_27 = arith.muli %broadcast_in_dim3A_22, %mul3A_26 : vector<512x1xi32>
    %add3A_28 = vector.broadcast %mul3A_27 : vector<512x1xi32> to vector<512x512xi32>
    %add3A_29 = arith.addi %add3A_28, %iota3A_25 : vector<512x512xi32>
    %swap3A_30 = arith.constant 0 : index
    %swap3A_31 = arith.constant 0 : index
    %swap3A_32 = vector.load %arg4[%swap3A_30, %swap3A_31] : memref<512x512xi32, #tpu.memory_space<vmem>>, vector<512x512xi32>
    tpu.vector_store %arg4[%swap3A_30, %swap3A_31], %add3A_29 {strides = array<i32>} : memref<512x512xi32, #tpu.memory_space<vmem>>, vector<512x512xi32>,
    return
  }
}

module attributes {stable_mosaic.version = 14 : i64} {
  func.func @_expert_body(%arg0: i32, %arg1: memref<512x768xf32, #tpu.memory_space<vmem>>, %arg2: memref<1x768x768xf32, #tpu.memory_space<vmem>>, %arg3: memref<8x768xf32, #tpu.memory_space<vmem>>, %arg4: memref<512x768xf32, #tpu.memory_space<vmem>>) attributes {dimension_semantics = [#tpu.dimension_semantics<arbitrary>], iteration_bounds = array<i64: 8>, scalar_prefetch = 0 : i64, scratch_operands = 0 : i64, tpu.core_type = #tpu.core_type<tc>, window_params = [{pipeline_mode = #tpu.pipeline_mode<synchronous>, transform_indices = @transform_0, window_bounds = array<i64: 512, 768>}, {transform_indices = @transform_1, window_bounds = array<i64: 1, 768, 768>}, {pipeline_mode = #tpu.pipeline_mode<synchronous>, transform_indices = @transform_2, window_bounds = array<i64: 8, 768>}, {transform_indices = @transform_3, window_bounds = array<i64: 512, 768>}]} {
    %get3A = arith.constant 0 : index
    %get3A_0 = arith.constant 0 : index
    %get3A_1 = vector.load %arg1[%get3A, %get3A_0] : memref<512x768xf32, #tpu.memory_space<vmem>>, vector<512x768xf32>
    %get3A_2 = arith.constant 0 : index
    %get3A_3 = arith.constant 0 : index
    %get3A_4 = arith.constant 0 : index
    %get3A_5 = vector.load %arg2[%get3A_2, %get3A_3, %get3A_4] : memref<1x768x768xf32, #tpu.memory_space<vmem>>, vector<1x768x768xf32>
    %get3A_6 = vector.shape_cast %get3A_5 : vector<1x768x768xf32> to vector<768x768xf32>
    %dot_general3A = arith.constant dense<0.000000e+00> : vector<512x768xf32>
    %dot_general3A_7 = tpu.matmul %get3A_1, %get3A_6, %dot_general3A {dimension_numbers = #tpu.dot_dimension_numbers<[1], [0], [0], [1], [0, 0, 1, 1], [], []>, transpose_lhs_hint = false} : vector<512x768xf32>, vector<768x768xf32>, vector<512x768xf32> -> vector<512x768xf32>
    %get3A_8 = arith.index_cast %arg0 : i32 to index
    %get3A_9 = arith.constant 0 : index
    %get3A_10 = vector.load %arg3[%get3A_8, %get3A_9] : memref<8x768xf32, #tpu.memory_space<vmem>>, vector<1x768xf32>
    %add3A = vector.broadcast %get3A_10 : vector<1x768xf32> to vector<512x768xf32>
    %add3A_11 = arith.addf %dot_general3A_7, %add3A : vector<512x768xf32>
    %swap3A = arith.constant 0 : index
    %swap3A_12 = arith.constant 0 : index
    %swap3A_13 = vector.load %arg4[%swap3A, %swap3A_12] : memref<512x768xf32, #tpu.memory_space<vmem>>, vector<512x768xf32>
    tpu.vector_store %arg4[%swap3A, %swap3A_12], %add3A_11 {strides = array<i32>} : memref<512x768xf32, #tpu.memory_space<vmem>>, vector<512x768xf32>,
    return
  }
  func.func @transform_0(%arg0: i32) -> (i32, i32) {
    %c0_i32 = arith.constant 0 : i32
    %c0_i32_0 = arith.constant 0 : i32
    %c0_i32_1 = arith.constant 0 : i32
    return %c0_i32, %c0_i32_0 : i32, i32
  }
  func.func @transform_1(%arg0: i32) -> (i32, i32, i32) {
    %c0_i32 = arith.constant 0 : i32
    %c0_i32_0 = arith.constant 0 : i32
    %c0_i32_1 = arith.constant 0 : i32
    return %arg0, %c0_i32, %c0_i32_0 : i32, i32, i32
  }
  func.func @transform_2(%arg0: i32) -> (i32, i32) {
    %c0_i32 = arith.constant 0 : i32
    %c0_i32_0 = arith.constant 0 : i32
    %c0_i32_1 = arith.constant 0 : i32
    return %c0_i32, %c0_i32_0 : i32, i32
  }
  func.func @transform_3(%arg0: i32) -> (i32, i32) {
    %c0_i32 = arith.constant 0 : i32
    %c0_i32_0 = arith.constant 0 : i32
    return %arg0, %c0_i32 : i32, i32
  }
}

</mosaic_0001>

<sc_bundles>
// kernel: kernel.5.cloned.1.call-start
scs
__scs_entry_jumppad:
0x0: {  	(pc) =	sbr.rel $0x88, $3  }
0x1: {  	(tag) =	ssettag $0x0;
	lr =	simm.s32 $0x1  }
0x2: {  	[smem:$0x3F9C] =	sst lr;
	_ =	strace $0xD0000000  }
0x3: {  	_ = 	snop  }
0x4: {  	_ = 	snop  }
0x5: {  	_ = 	snop  }
0x6: {  	_ = 	snop  }
0x7: {  	_ = 	snop  }
__scs_overlays_trampoline_lowered:
0x8: {  	[smem:$0x3FAB] =	sst s0  }
0x9: {  	[smem:$0x3FAC] =	sst s1  }
0xa: {  	[smem:$0x3FAD] =	sst s2  }
0xb: {  	[smem:$0x3FAE] =	sst s3  }
0xc: {  	[smem:$0x3FAF] =	sst s4  }
0xd: {  	[smem:$0x3FB0] =	sst s5  }
0xe: {  	[smem:$0x3FB1] =	sst s6  }
0xf: {  	[smem:$0x3FB2] =	sst s7  }
0x10: {  	[smem:$0x3FB3] =	sst s8  }
0x11: {  	[smem:$0x3FB4] =	sst s9;
	s0 =	simm.s32 @!p0 $0x0  }
0x12: {  	s1 =	sld [smem:$0x3F9A];
	s0 =	simm.s32 @p0 $0x1  }
0x13: {  	[smem:$0x3FB5] =	sst s0;
	s0 =	simm.s32 @!p1 $0x0  }
0x14: {  	s2 =	sld [smem:$0x3F99];
	s0 =	simm.s32 @p1 $0x1  }
0x15: {  	[smem:$0x3FB6] =	sst s0;
	s0 =	simm.s32 @!p2 $0x0  }
0x16: {  	s3 =	sld [smem:$0x3FDB];
	s0 =	simm.s32 @p2 $0x1  }
0x17: {  	s4 =	simm.s32 $0x1BF5;
	[smem:$0x3FB8] =	sst s0  }
0x18: {  	s0 =	sld [smem:$0x3F9B];
	_ =	swait.ge [sflag:s4], $0x0  }
0x19: {  	s7 =	sld [smem:$0x3F9C]  }
0x1a: {  	s8 =	sadd.s32 $0xFFFFE003, lr  }
0x1b: {  	s9 =	sadd.s32 $0xFFFFFEF7, lr;
	s5 =	simm.s32 $0xFFFFFFFF;
	p2 =	slt.u32 s8, $0xFFFFF086  }
0x1c: {  	p1 =	slt.u32 s9, $0xF7A;
	s5 =	simm.s32 @!p2 $0x0  }
0x1d: {  	s5 =	simm.s32 @p1 $0x1;
	p0 =	seq.s32 s7, s2  }
0x1e: {  	s7 =	smul.u32 @!p0 $0xF7A, s2;
	p2 =	seq.s32 @!p0 s5, $0x0  }
0x1f: {  	s9 =	smul.u32 $0xF7A, s1;
	s8 =	simm.s32 @!p0 $0x1BF5;
	p2 =	por !p2, p0  }
0x20: {  	[sflag:s8] =	ssyncset.s32 @!p0 $0xFFFFF086;
	s6 =	sadd.s32 @!p0 s3, s7;
	s7 =	simm.s32 @!p0 $0x108  }
0x21: {  	s3 =	sadd.s32 s3, s9;
	s6 =	sadd.s32 @!p0 $0x88, s6;
	s7 =	simm.s32 @p2 $0x1082  }
0x22: {  	[simem:s7], [sflag:s8] =	dma.local @!p0 [hbm:s6], $0xF7A  }
0x23: {  	s9 =	sor.u32 $0xD0000000, s2;
	s6 =	simm.s32 $0x108;
	_ =	swait.ge @!p0 [sflag:s8], $0x0  }
0x24: {  	s3 =	sadd.s32 $0x88, s3;
	s6 =	simm.s32 @!p1 $0x1082;
	[sflag:s4] =	ssyncset.s32 $0xFFFFF086  }
0x25: {  	[simem:s6], [sflag:s4] =	dma.local [hbm:s3], $0xF7A  }
0x26: {  	[smem:$0x3F9C] =	sst s1;
	(tag) =	ssettag s2;
	_ =	strace s9  }
0x27: {  	s1 =	sld [smem:$0x3FAC]  }
0x28: {  	s2 =	sld [smem:$0x3FAD]  }
0x29: {  	s4 =	sld [smem:$0x3FAF]  }
0x2a: {  	p0 =	seq.s32 s5, $0x0;
	s5 =	sld [smem:$0x3FB0]  }
0x2b: {  	s6 =	sld [smem:$0x3FB1]  }
0x2c: {  	s7 =	sld [smem:$0x3FB2]  }
0x2d: {  	s3 =	simm.s32 $0x108;
	s8 =	sld [smem:$0x3FB3]  }
0x2e: {  	s3 =	simm.s32 @!p0 $0x1082;
	s9 =	sld [smem:$0x3FB4]  }
0x2f: {  	lr =	sadd.s32 s0, s3;
	s0 =	sld [smem:$0x3FAB]  }
0x30: {  	s3 =	sld [smem:$0x3FAE]  }
0x31: {  	[smem:$0x3FB7] =	sst s10  }
0x32: {  	s10 =	sld [smem:$0x3FB5];
	_ =	sdelay $0x3  }
0x33: {  	p0 =	seq.s32 s10, $0x1;
	s10 =	sld [smem:$0x3FB7];
	_ =	sdelay $0x3  }
0x34: {  	[smem:$0x3FB7] =	sst s10  }
0x35: {  	s10 =	sld [smem:$0x3FB6];
	_ =	sdelay $0x3  }
0x36: {  	p1 =	seq.s32 s10, $0x1;
	s10 =	sld [smem:$0x3FB7];
	_ =	sdelay $0x3  }
0x37: {  	[smem:$0x3FB7] =	sst s10  }
0x38: {  	s10 =	sld [smem:$0x3FB8]  }
0x39: {  	_ = 	snop;
	(pc) =	sbr.ind lr, $3  }
0x3a: {  	_ = 	snop  }
0x3b: {  	_ = 	snop  }
0x3c: {  	p2 =	seq.s32 s10, $0x1;
	s10 =	sld [smem:$0x3FB7]  }
0x3d: {  	_ =	shalt  }
0x3e: {  	_ =	shalt  }
0x3f: {  	_ =	shalt  }
0x40: {  	_ =	shalt  }
0x41: {  	_ =	shalt  }
0x42: {  	_ =	shalt  }
0x43: {  	_ =	shalt  }
0x44: {  	_ =	shalt  }
0x45: {  	_ =	shalt  }
0x46: {  	_ =	shalt  }
0x47: {  	_ =	shalt  }
0x48: {  	_ =	shalt  }
0x49: {  	_ =	shalt  }
0x4a: {  	_ =	shalt  }
0x4b: {  	_ =	shalt  }
0x4c: {  	_ =	shalt  }
0x4d: {  	_ =	shalt  }
0x4e: {  	_ =	shalt  }
0x4f: {  	_ =	shalt  }
0x50: {  	_ =	shalt  }
0x51: {  	_ =	shalt  }
0x52: {  	_ =	shalt  }
0x53: {  	_ =	shalt  }
0x54: {  	_ =	shalt  }
0x55: {  	_ =	shalt  }
0x56: {  	_ =	shalt  }
0x57: {  	_ =	shalt  }
0x58: {  	_ =	shalt  }
0x59: {  	_ =	shalt  }
0x5a: {  	_ =	shalt  }
0x5b: {  	_ =	shalt  }
0x5c: {  	_ =	shalt  }
0x5d: {  	_ =	shalt  }
0x5e: {  	_ =	shalt  }
0x5f: {  	_ =	shalt  }
0x60: {  	_ =	shalt  }
0x61: {  	_ =	shalt  }
0x62: {  	_ =	shalt  }
0x63: {  	_ =	shalt  }
0x64: {  	_ =	shalt  }
0x65: {  	_ =	shalt  }
0x66: {  	_ =	shalt  }
0x67: {  	_ =	shalt  }
0x68: {  	_ =	shalt  }
0x69: {  	_ =	shalt  }
0x6a: {  	_ =	shalt  }
0x6b: {  	_ =	shalt  }
0x6c: {  	_ =	shalt  }
0x6d: {  	_ =	shalt  }
0x6e: {  	_ =	shalt  }
0x6f: {  	_ =	shalt  }
0x70: {  	_ =	shalt  }
0x71: {  	_ =	shalt  }
0x72: {  	_ =	shalt  }
0x73: {  	_ =	shalt  }
0x74: {  	_ =	shalt  }
0x75: {  	_ =	shalt  }
0x76: {  	_ =	shalt  }
0x77: {  	_ =	shalt  }
0x78: {  	_ =	shalt  }
0x79: {  	_ =	shalt  }
0x7a: {  	_ =	shalt  }
0x7b: {  	_ =	shalt  }
0x7c: {  	_ =	shalt  }
0x7d: {  	_ =	shalt  }
0x7e: {  	_ =	shalt  }
0x7f: {  	_ =	shalt  }
0x80: {  	_ =	shalt  }
0x81: {  	_ =	shalt  }
0x82: {  	_ =	shalt  }
0x83: {  	_ =	shalt  }
0x84: {  	_ =	shalt  }
0x85: {  	_ =	shalt  }
0x86: {  	_ =	shalt  }
0x87: {  	_ =	shalt  }
.Lfunc_end0:
.L_simem_size_0:
called_computation_lowered:
.L_overlay_start_0:
0x88: {  	s2 =	sld [smem:$0x3FD9]  }
0x89: {  	s3 =	sld [smem:$0x3FFE];
	_ =	sdelay $0x1  }
0x8a: {  	s1 =	srdreg.scid  }
0x8b: {  	s0 =	sand.u32 $0x1, s1  }
0x8c: {  	s17 =	sshll.u32 s0, $0xA;
	s2 =	sadd.s32 s3, s2  }
0x8d: {  	s2 =	sadd.s32 s2, s17  }
0x8e: {  	[smem:$0x3FC3] =	sst s2  }
0x8f: {  	_ = 	snop  }
0x90: {  	s2 =	sld [smem:$0x3FD0];
	(tm) =	ssettm $0x1  }
0x91: {  	s18 =	sld [smem:$0x3FFB];
	_ =	sdelay $0x3  }
0x92: {  	_ =	strace s18  }
0x93: {  	s3 =	sld [smem:$0x3FFC];
	_ =	sdelay $0x3  }
0x94: {  	_ =	strace s3  }
0x95: {  	s3 =	sld [smem:$0x3FFD];
	_ =	sdelay $0x3  }
0x96: {  	_ =	strace s3  }
0x97: {  	_ =	strace $0x8FFFFFFF  }
0x98: {  	s19 =	sld [smem:$0x3FDB];
	_ =	sdelay $0x1  }
0x99: {  	s4 =	simm.s32 $_scs_section_size  }
0x9a: {  	s5 =	simm.s32 $_size__tile_overlayer_lowered;
	s6 =	simm.s32 $_tile_overlayer_lowered  }
0x9b: {  	s22 =	simm.s32 $0x1BFF;
	s21 =	sshll.u32 s6, $0x1;
	s3 =	sadd.s32 s4, s19  }
0x9c: {  	s7 =	simm.s32 $0x0;
	s20 =	sshll.u32 s5, $0x1;
	s5 =	sadd.s32 s21, s3  }
0x9d: {  	[timem:s7], [sflag:s22] =	dma.local [hbm:s5], s20  }
0x9e: {  	_ =	swait.ge [sflag:s22], s20  }
0x9f: {  	s4 =	ssub.s32 $0x0, s20;
	[sflag:s22] =	ssyncset.done $0x0  }
0xa0: {  	[sflag:s22] =	ssyncadd.s32 s4;
	_ =	sdelay $0x1  }
0xa1: {  	s23 =	simm.s32 $0x1B8B  }
0xa2: {  	_ =	swait.ge [sflag:s23], $0x1  }
0xa3: {  	[sflag:s23] =	ssyncset.done $0x0  }
0xa4: {  	s25 =	simm.s32 $0x1B8E;
	s24 =	sld [smem:$0x3FFE];
	[sflag:s23] =	ssyncadd.s32 $0xFFFFFFFF  }
0xa5: {  	s26 =	simm.s32 $execute0_lowered;
	[smem:$0x3FD2] =	sst s25  }
0xa6: {  	s5 =	sshll.u32 s26, $0x1;
	_ =	strace $0x80000046;
	[dreg:$0x1] =	wrdreg $0xFFFFFFFF  }
0xa7: {  	s28 =	simm.s32 $_size_execute0_lowered;
	s3 =	sadd.s32 s3, s5;
	[dreg:$0x0] =	wrdreg $0x0  }
0xa8: {  	s5 =	sshll.u32 s28, $0x1;
	[dreg:$0x2] =	wrdreg s3  }
0xa9: {  	[dreg:$0x3] =	wrdreg s5  }
0xaa: {  	[dreg:$0x4] =	wrdreg $0xC0  }
0xab: {  	_ =	task [dreg:s7], $0x5FFFF  }
0xac: {  	[dreg:$0x1] =	wrdreg $0xFFFFFFFF  }
0xad: {  	[dreg:$0x0] =	wrdreg $0x60  }
0xae: {  	[dreg:$0x2] =	wrdreg s24  }
0xaf: {  	[dreg:$0x3] =	wrdreg s2  }
0xb0: {  	[dreg:$0x4] =	wrdreg $0x9  }
0xb1: {  	_ =	task.clear_ibuf [dreg:s7], $0x5FFFF;
	_ =	strace $0x90000046  }
0xb2: {  	s29 =	simm.s32 $0x9;
	_ =	strace $0x80000048  }
0xb3: {  	_ =	swait.ge [sflag:s29], $0x1  }
0xb4: {  	[sflag:s29] =	ssyncadd.s32 $0xFFFFFFFF  }
0xb5: {  	_ =	strace $0x90000048  }
0xb6: {  	_ =	sfence  }
0xb7: {  	s30 =	sld [smem:$0x0];
	_ =	sdelay $0x2  }
0xb8: {  	s31 =	sshll.u32 s1, $0xD;
	s1 =	sshrl.u32 s1, $0x2  }
0xb9: {  	s3 =	sand.u32 $0x4000, s31;
	s1 =	sadd.s32 s1, s30  }
0xba: {  	s0 =	sor.u32 s3, s0;
	s1 =	sshll.u32 s1, $0x11  }
0xbb: {  	s0 =	sor.u32 s1, s0  }
0xbc: {  	s0 =	sadd.s32 $0x8F2B, s0  }
0xbd: {  	[sflag:s0] =	ssyncadd.remote.s32 $0x1  }
0xbe: {  	_ =	sfence.sel $0xFFFF  }
0xbf: {  	[dreg:$0x0] =	wrdreg $0xFFFFFFFF;
	(pc) =	sbr.abs _section_cstart, $3  }
0xc0: {  	[dreg:$0x1] =	wrdreg $0xFFFFFFFF  }
0xc1: {  	_ =	task.clear_ibuf [dreg:s7], $0x2FFFF;
	_ =	strace $0x9FFFFFFF  }
0xc2: {  	(tm) =	ssettm $0x7FFFFFFF  }
0xc3: {  	_ =	shalt  }
tec
execute0_lowered:
.L_overlay_start_1:
0x0: {  	(tag) =	ssettag $0x1  }
0x1: {  	s5 =	rddreg [dreg:$0x0]  }
0x2: {  	s0 =	rddreg [dreg:$0x1];
	s2 =	simm.s32 $0x0  }
0x3: {  	s20 =	simm.s32 $0x880;
	[smem:$0x7FF] =	sst s2  }
0x4: {  	s21 =	simm.s32 $0x1080;
	_ =	strace $0x80000047;
	[dreg:$0x4] =	wrdreg s20  }
0x5: {  	s22 =	simm.s32 $0x1880;
	[dreg:$0x5] =	wrdreg s21  }
0x6: {  	s23 =	simm.s32 $0x2080;
	[dreg:$0x6] =	wrdreg s22  }
0x7: {  	s24 =	simm.s32 $0x2880;
	[dreg:$0x7] =	wrdreg s23  }
0x8: {  	s25 =	simm.s32 $0x3080;
	[dreg:$0x8] =	wrdreg s24  }
0x9: {  	s26 =	simm.s32 $0x3880;
	[dreg:$0x9] =	wrdreg s25  }
0xa: {  	s6 =	simm.s32 $0x4880;
	[dreg:$0xa] =	wrdreg s26  }
0xb: {  	s7 =	simm.s32 $0x5080;
	[dreg:$0xc] =	wrdreg s6  }
0xc: {  	s8 =	stileid.u32;
	s9 =	simm.s32 $0x5880;
	[dreg:$0xd] =	wrdreg s7  }
0xd: {  	s1 =	srdreg.scid;
	s10 =	simm.s32 $0x6080;
	[dreg:$0xe] =	wrdreg s9  }
0xe: {  	s11 =	simm.s32 $0x6880;
	s12 =	simm.s32 $0x7080;
	[dreg:$0xf] =	wrdreg s10  }
0xf: {  	s13 =	simm.s32 $0x7880;
	s14 =	simm.s32 $0x8080;
	[dreg:$0x10] =	wrdreg s11  }
0x10: {  	s15 =	simm.s32 $0x8880;
	s16 =	simm.s32 $0x9080;
	[dreg:$0x11] =	wrdreg s12  }
0x11: {  	s17 =	simm.s32 $0x9880;
	s18 =	simm.s32 $0xA080;
	[dreg:$0x12] =	wrdreg s13  }
0x12: {  	s19 =	simm.s32 $0xA880;
	s28 =	simm.s32 $0x17080;
	[dreg:$0x13] =	wrdreg s14  }
0x13: {  	s29 =	simm.s32 $0x17880;
	s30 =	simm.s32 $0x1;
	[dreg:$0x14] =	wrdreg s15  }
0x14: {  	s31 =	simm.s32 $0x0;
	s3 =	sshll.u32 s8, $0xB;
	[dreg:$0x15] =	wrdreg s16  }
0x15: {  	s1 =	sand.u32 $0x1, s1;
	s8 =	smul.u32 $0x180000, s8;
	[dreg:$0x16] =	wrdreg s17  }
0x16: {  	s3 =	sadd.s32 s3, s5;
	s4 =	sshll.u32 s1, $0xA;
	[dreg:$0x17] =	wrdreg s18  }
0x17: {  	s6 =	ssub.s32 $0x2, s1;
	[dreg:$0x18] =	wrdreg s19;
	s20 =	simm.s32 $0xB080  }
0x18: {  	s21 =	simm.s32 $0xB880;
	s22 =	simm.s32 $0xC080;
	s23 =	simm.s32 $0xC880  }
0x19: {  	s1 =	smul.u32 $0xC0000, s1;
	s24 =	simm.s32 $0xD080;
	s25 =	simm.s32 $0xD880  }
0x1a: {  	s26 =	simm.s32 $0xE080;
	s9 =	simm.s32 $0x80;
	s10 =	simm.s32 $0xE880  }
0x1b: {  	s11 =	simm.s32 $0xF080;
	s12 =	simm.s32 $0xF880;
	[dreg:$0x19] =	wrdreg s20  }
0x1c: {  	s13 =	simm.s32 $0x10080;
	s14 =	simm.s32 $0x10880;
	[dreg:$0x1a] =	wrdreg s21  }
0x1d: {  	s15 =	simm.s32 $0x11080;
	s16 =	simm.s32 $0x11880;
	[dreg:$0x1b] =	wrdreg s22  }
0x1e: {  	s17 =	simm.s32 $0x12080;
	s18 =	simm.s32 $0x12880;
	[dreg:$0x1c] =	wrdreg s23  }
0x1f: {  	s19 =	simm.s32 $0x13080;
	s3 =	sadd.s32 s4, s3;
	[dreg:$0x1d] =	wrdreg s24  }
0x20: {  	s4 =	simm.s32 $0x4080;
	s7 =	sshrl.u32 s6, $0x1;
	[dreg:$0x1e] =	wrdreg s25  }
0x21: {  	s0 =	sadd.s32 s8, s0;
	s8 =	simm.s32 $0x2;
	[dreg:$0x1f] =	wrdreg s26  }
0x22: {  	s20 =	simm.s32 $0x13880;
	s21 =	simm.s32 $0x14080;
	s22 =	simm.s32 $0x14880  }
0x23: {  	s23 =	simm.s32 $0x15080;
	s24 =	simm.s32 $0x15880;
	s25 =	simm.s32 $0x16080  }
0x24: {  	s26 =	simm.s32 $0x16880;
	s3 =	sadd.s32 $0x1000, s3;
	[dreg:$0xb] =	wrdreg s4  }
0x25: {  	v2 =	vlaneseq.u32;
	s6 =	ssub.s32 s6, s7;
	s0 =	sadd.s32 s1, s0;
	[dreg:$0x3] =	wrdreg s3  }
0x26: {  	vm0 =	vmmov $0xffff;
	v1 =	vshrl.u32 v2, $0x3;
	s4 =	sadd.s32 $0x9100, s5;
	s6 =	smax.u32 s6, $0x1;
	[smem:$0x7FD] =	sst s0  }
0x27: {  	v0 =	vand.u32 $0x7, v2;
	v2 =	vor.u32 $0x8, v2;
	v1 =	vmul.u32 $0x8, v1;
	s3 =	sadd.s32 $0x9000, s5;
	s5 =	sadd.s32 $0x9200, s5;
	[smem:$0x7FC] =	sst s6  }
.LBB2_1:
0x28: {  	s7 =	sld [smem:$0x7FD];
	s1 =	simm.s32 $0x0  }
.LBB2_2:
0x29: {  	s6 =	rddreg [dreg:$0x3]  }
0x2a: {  	s6 =	sadd.s32 s1, s6  }
0x2b: {  	[tilespmem:s2], [sflag:$0x2] =	stream.linear.gather [hbm4b:s6+s2], $0x80, $0x38;
	[tilespmem:$0x18080] =	vst v63  }
0x2c: {  	_ =	swait.ge [sflag:s8], $0x80  }
0x2d: {  	[sflag:s8] =	ssyncset.done $0x0  }
0x2e: {  	[sflag:s8] =	ssyncadd.s32 $0xFFFFFF80  }
0x2f: {  	v3 =	vld [tilespmem:$0x0];
	_ =	sdelay $0x4  }
0x30: {  	v4 =	vshrl.u32 v3, $0x3  }
0x31: {  	v4 =	vmul.u32 $0x30, v4  }
0x32: {  	v3 =	vand.u32 $0x7, v3  }
0x33: {  	v3 =	vor.u32 v3, v4  }
0x34: {  	v4 =	vperm.xlane v3, v0;
	_ =	sdelay $0x1  }
0x35: {  	v4 =	vadd.s32 v1, v4;
	_ =	sdelay $0x3  }
0x36: {  	v3 =	vperm.xlane v3, v2  }
0x37: {  	[tilespmem:s9], [sflag:$0x1] =	stream.indirect_vreg.gather [hbm4b:s3+s2], $0x80, v4, vm0, $0xb8;
	[tilespmem:$0x18080] =	vst v63  }
0x38: {  	s6 =	rddreg [dreg:$0x4];
	v3 =	vadd.s32 v1, v3  }
0x39: {  	[tilespmem:s6], [sflag:$0x1] =	stream.indirect_vreg.gather [hbm4b:s4+s2], $0x80, v4, vm0, $0xb8;
	[tilespmem:$0x18080] =	vst v63  }
0x3a: {  	s0 =	rddreg [dreg:$0x5]  }
0x3b: {  	[tilespmem:s0], [sflag:$0x1] =	stream.indirect_vreg.gather [hbm4b:s5+s2], $0x80, v4, vm0, $0xb8;
	[tilespmem:$0x18080] =	vst v63  }
0x3c: {  	s6 =	rddreg [dreg:$0x6]  }
0x3d: {  	[tilespmem:s6], [sflag:$0x1] =	stream.indirect_vreg.gather [hbm4b:s3+s2], $0x80, v3, vm0, $0xb8;
	[tilespmem:$0x18080] =	vst v63  }
0x3e: {  	s0 =	rddreg [dreg:$0x7]  }
0x3f: {  	[tilespmem:s0], [sflag:$0x1] =	stream.indirect_vreg.gather [hbm4b:s4+s2], $0x80, v3, vm0, $0xb8;
	[tilespmem:$0x18080] =	vst v63  }
0x40: {  	s6 =	rddreg [dreg:$0x8]  }
0x41: {  	[tilespmem:s6], [sflag:$0x1] =	stream.indirect_vreg.gather [hbm4b:s5+s2], $0x80, v3, vm0, $0xb8;
	[tilespmem:$0x18080] =	vst v63  }
0x42: {  	v3 =	vld [tilespmem:$0x10];
	_ =	sdelay $0x4  }
0x43: {  	v57 =	vshrl.u32 v3, $0x3  }
0x44: {  	v4 =	vmul.u32 $0x30, v57  }
0x45: {  	v3 =	vand.u32 $0x7, v3  }
0x46: {  	v3 =	vor.u32 v3, v4  }
0x47: {  	v4 =	vperm.xlane v3, v0;
	_ =	sdelay $0x1  }
0x48: {  	v4 =	vadd.s32 v1, v4;
	_ =	sdelay $0x3  }
0x49: {  	s0 =	rddreg [dreg:$0x9];
	v3 =	vperm.xlane v3, v2  }
0x4a: {  	[tilespmem:s0], [sflag:$0x1] =	stream.indirect_vreg.gather [hbm4b:s3+s2], $0x80, v4, vm0, $0xb8;
	[tilespmem:$0x18080] =	vst v63  }
0x4b: {  	s6 =	rddreg [dreg:$0xa];
	v3 =	vadd.s32 v1, v3  }
0x4c: {  	[tilespmem:s6], [sflag:$0x1] =	stream.indirect_vreg.gather [hbm4b:s4+s2], $0x80, v4, vm0, $0xb8;
	[tilespmem:$0x18080] =	vst v63  }
0x4d: {  	s0 =	rddreg [dreg:$0xb]  }
0x4e: {  	[tilespmem:s0], [sflag:$0x1] =	stream.indirect_vreg.gather [hbm4b:s5+s2], $0x80, v4, vm0, $0xb8;
	[tilespmem:$0x18080] =	vst v63  }
0x4f: {  	s6 =	rddreg [dreg:$0xc]  }
0x50: {  	[tilespmem:s6], [sflag:$0x1] =	stream.indirect_vreg.gather [hbm4b:s3+s2], $0x80, v3, vm0, $0xb8;
	[tilespmem:$0x18080] =	vst v63  }
0x51: {  	s0 =	rddreg [dreg:$0xd]  }
0x52: {  	[tilespmem:s0], [sflag:$0x1] =	stream.indirect_vreg.gather [hbm4b:s4+s2], $0x80, v3, vm0, $0xb8;
	[tilespmem:$0x18080] =	vst v63  }
0x53: {  	s6 =	rddreg [dreg:$0xe]  }
0x54: {  	[tilespmem:s6], [sflag:$0x1] =	stream.indirect_vreg.gather [hbm4b:s5+s2], $0x80, v3, vm0, $0xb8;
	[tilespmem:$0x18080] =	vst v63  }
0x55: {  	v3 =	vld [tilespmem:$0x20];
	_ =	sdelay $0x4  }
0x56: {  	v58 =	vshrl.u32 v3, $0x3  }
0x57: {  	v4 =	vmul.u32 $0x30, v58  }
0x58: {  	v3 =	vand.u32 $0x7, v3  }
0x59: {  	v3 =	vor.u32 v3, v4  }
0x5a: {  	v4 =	vperm.xlane v3, v0;
	_ =	sdelay $0x1  }
0x5b: {  	v4 =	vadd.s32 v1, v4;
	_ =	sdelay $0x3  }
0x5c: {  	s0 =	rddreg [dreg:$0xf];
	v3 =	vperm.xlane v3, v2  }
0x5d: {  	[tilespmem:s0], [sflag:$0x1] =	stream.indirect_vreg.gather [hbm4b:s3+s2], $0x80, v4, vm0, $0xb8;
	[tilespmem:$0x18080] =	vst v63  }
0x5e: {  	s6 =	rddreg [dreg:$0x10];
	v3 =	vadd.s32 v1, v3  }
0x5f: {  	[tilespmem:s6], [sflag:$0x1] =	stream.indirect_vreg.gather [hbm4b:s4+s2], $0x80, v4, vm0, $0xb8;
	[tilespmem:$0x18080] =	vst v63  }
0x60: {  	s0 =	rddreg [dreg:$0x11]  }
0x61: {  	[tilespmem:s0], [sflag:$0x1] =	stream.indirect_vreg.gather [hbm4b:s5+s2], $0x80, v4, vm0, $0xb8;
	[tilespmem:$0x18080] =	vst v63  }
0x62: {  	s6 =	rddreg [dreg:$0x12]  }
0x63: {  	[tilespmem:s6], [sflag:$0x1] =	stream.indirect_vreg.gather [hbm4b:s3+s2], $0x80, v3, vm0, $0xb8;
	[tilespmem:$0x18080] =	vst v63  }
0x64: {  	s0 =	rddreg [dreg:$0x13]  }
0x65: {  	[tilespmem:s0], [sflag:$0x1] =	stream.indirect_vreg.gather [hbm4b:s4+s2], $0x80, v3, vm0, $0xb8;
	[tilespmem:$0x18080] =	vst v63  }
0x66: {  	s6 =	rddreg [dreg:$0x14]  }
0x67: {  	[tilespmem:s6], [sflag:$0x1] =	stream.indirect_vreg.gather [hbm4b:s5+s2], $0x80, v3, vm0, $0xb8;
	[tilespmem:$0x18080] =	vst v63  }
0x68: {  	v3 =	vld [tilespmem:$0x30];
	_ =	sdelay $0x4  }
0x69: {  	v59 =	vshrl.u32 v3, $0x3  }
0x6a: {  	v4 =	vmul.u32 $0x30, v59  }
0x6b: {  	v3 =	vand.u32 $0x7, v3  }
0x6c: {  	v3 =	vor.u32 v3, v4  }
0x6d: {  	v4 =	vperm.xlane v3, v0;
	_ =	sdelay $0x1  }
0x6e: {  	v4 =	vadd.s32 v1, v4;
	_ =	sdelay $0x3  }
0x6f: {  	s0 =	rddreg [dreg:$0x15];
	v3 =	vperm.xlane v3, v2  }
0x70: {  	[tilespmem:s0], [sflag:$0x1] =	stream.indirect_vreg.gather [hbm4b:s3+s2], $0x80, v4, vm0, $0xb8;
	[tilespmem:$0x18080] =	vst v63  }
0x71: {  	s6 =	rddreg [dreg:$0x16];
	v3 =	vadd.s32 v1, v3  }
0x72: {  	[tilespmem:s6], [sflag:$0x1] =	stream.indirect_vreg.gather [hbm4b:s4+s2], $0x80, v4, vm0, $0xb8;
	[tilespmem:$0x18080] =	vst v63  }
0x73: {  	s0 =	rddreg [dreg:$0x17]  }
0x74: {  	[tilespmem:s0], [sflag:$0x1] =	stream.indirect_vreg.gather [hbm4b:s5+s2], $0x80, v4, vm0, $0xb8;
	[tilespmem:$0x18080] =	vst v63  }
0x75: {  	s6 =	rddreg [dreg:$0x18]  }
0x76: {  	[tilespmem:s6], [sflag:$0x1] =	stream.indirect_vreg.gather [hbm4b:s3+s2], $0x80, v3, vm0, $0xb8;
	[tilespmem:$0x18080] =	vst v63  }
0x77: {  	s0 =	rddreg [dreg:$0x19]  }
0x78: {  	[tilespmem:s0], [sflag:$0x1] =	stream.indirect_vreg.gather [hbm4b:s4+s2], $0x80, v3, vm0, $0xb8;
	[tilespmem:$0x18080] =	vst v63  }
0x79: {  	s6 =	rddreg [dreg:$0x1a]  }
0x7a: {  	[tilespmem:s6], [sflag:$0x1] =	stream.indirect_vreg.gather [hbm4b:s5+s2], $0x80, v3, vm0, $0xb8;
	[tilespmem:$0x18080] =	vst v63  }
0x7b: {  	v3 =	vld [tilespmem:$0x40];
	_ =	sdelay $0x4  }
0x7c: {  	v60 =	vshrl.u32 v3, $0x3  }
0x7d: {  	v4 =	vmul.u32 $0x30, v60  }
0x7e: {  	v3 =	vand.u32 $0x7, v3  }
0x7f: {  	v3 =	vor.u32 v3, v4  }
0x80: {  	v4 =	vperm.xlane v3, v0;
	_ =	sdelay $0x1  }
0x81: {  	v4 =	vadd.s32 v1, v4;
	_ =	sdelay $0x3  }
0x82: {  	s0 =	rddreg [dreg:$0x1b];
	v3 =	vperm.xlane v3, v2  }
0x83: {  	[tilespmem:s0], [sflag:$0x1] =	stream.indirect_vreg.gather [hbm4b:s3+s2], $0x80, v4, vm0, $0xb8;
	[tilespmem:$0x18080] =	vst v63  }
0x84: {  	s6 =	rddreg [dreg:$0x1c];
	v3 =	vadd.s32 v1, v3  }
0x85: {  	[tilespmem:s6], [sflag:$0x1] =	stream.indirect_vreg.gather [hbm4b:s4+s2], $0x80, v4, vm0, $0xb8;
	[tilespmem:$0x18080] =	vst v63  }
0x86: {  	s0 =	rddreg [dreg:$0x1d]  }
0x87: {  	[tilespmem:s0], [sflag:$0x1] =	stream.indirect_vreg.gather [hbm4b:s5+s2], $0x80, v4, vm0, $0xb8;
	[tilespmem:$0x18080] =	vst v63  }
0x88: {  	s6 =	rddreg [dreg:$0x1e]  }
0x89: {  	[tilespmem:s6], [sflag:$0x1] =	stream.indirect_vreg.gather [hbm4b:s3+s2], $0x80, v3, vm0, $0xb8;
	[tilespmem:$0x18080] =	vst v63  }
0x8a: {  	s0 =	rddreg [dreg:$0x1f]  }
0x8b: {  	[tilespmem:s0], [sflag:$0x1] =	stream.indirect_vreg.gather [hbm4b:s4+s2], $0x80, v3, vm0, $0xb8;
	[tilespmem:$0x18080] =	vst v63  }
0x8c: {  	_ = 	snop  }
0x8d: {  	[tilespmem:s10], [sflag:$0x1] =	stream.indirect_vreg.gather [hbm4b:s5+s2], $0x80, v3, vm0, $0xb8;
	[tilespmem:$0x18080] =	vst v63  }
0x8e: {  	v3 =	vld [tilespmem:$0x50];
	_ =	sdelay $0x4  }
0x8f: {  	v61 =	vshrl.u32 v3, $0x3  }
0x90: {  	v4 =	vmul.u32 $0x30, v61  }
0x91: {  	v3 =	vand.u32 $0x7, v3  }
0x92: {  	v3 =	vor.u32 v3, v4  }
0x93: {  	v4 =	vperm.xlane v3, v0;
	_ =	sdelay $0x1  }
0x94: {  	v4 =	vadd.s32 v1, v4;
	_ =	sdelay $0x3  }
0x95: {  	v3 =	vperm.xlane v3, v2  }
0x96: {  	[tilespmem:s11], [sflag:$0x1] =	stream.indirect_vreg.gather [hbm4b:s3+s2], $0x80, v4, vm0, $0xb8;
	[tilespmem:$0x18080] =	vst v63  }
0x97: {  	v3 =	vadd.s32 v1, v3  }
0x98: {  	[tilespmem:s12], [sflag:$0x1] =	stream.indirect_vreg.gather [hbm4b:s4+s2], $0x80, v4, vm0, $0xb8;
	[tilespmem:$0x18080] =	vst v63  }
0x99: {  	_ = 	snop  }
0x9a: {  	[tilespmem:s13], [sflag:$0x1] =	stream.indirect_vreg.gather [hbm4b:s5+s2], $0x80, v4, vm0, $0xb8;
	[tilespmem:$0x18080] =	vst v63  }
0x9b: {  	_ = 	snop  }
0x9c: {  	[tilespmem:s14], [sflag:$0x1] =	stream.indirect_vreg.gather [hbm4b:s3+s2], $0x80, v3, vm0, $0xb8;
	[tilespmem:$0x18080] =	vst v63  }
0x9d: {  	_ = 	snop  }
0x9e: {  	[tilespmem:s15], [sflag:$0x1] =	stream.indirect_vreg.gather [hbm4b:s4+s2], $0x80, v3, vm0, $0xb8;
	[tilespmem:$0x18080] =	vst v63  }
0x9f: {  	_ = 	snop  }
0xa0: {  	[tilespmem:s16], [sflag:$0x1] =	stream.indirect_vreg.gather [hbm4b:s5+s2], $0x80, v3, vm0, $0xb8;
	[tilespmem:$0x18080] =	vst v63  }
0xa1: {  	v3 =	vld [tilespmem:$0x60];
	_ =	sdelay $0x4  }
0xa2: {  	v62 =	vshrl.u32 v3, $0x3  }
0xa3: {  	v4 =	vmul.u32 $0x30, v62  }
0xa4: {  	v3 =	vand.u32 $0x7, v3  }
0xa5: {  	v3 =	vor.u32 v3, v4  }
0xa6: {  	v4 =	vperm.xlane v3, v0;
	_ =	sdelay $0x1  }
0xa7: {  	v4 =	vadd.s32 v1, v4;
	_ =	sdelay $0x3  }
0xa8: {  	v3 =	vperm.xlane v3, v2  }
0xa9: {  	[tilespmem:s17], [sflag:$0x1] =	stream.indirect_vreg.gather [hbm4b:s3+s2], $0x80, v4, vm0, $0xb8;
	[tilespmem:$0x18080] =	vst v63  }
0xaa: {  	v3 =	vadd.s32 v1, v3  }
0xab: {  	[tilespmem:s18], [sflag:$0x1] =	stream.indirect_vreg.gather [hbm4b:s4+s2], $0x80, v4, vm0, $0xb8;
	[tilespmem:$0x18080] =	vst v63  }
0xac: {  	_ = 	snop  }
0xad: {  	[tilespmem:s19], [sflag:$0x1] =	stream.indirect_vreg.gather [hbm4b:s5+s2], $0x80, v4, vm0, $0xb8;
	[tilespmem:$0x18080] =	vst v63  }
0xae: {  	_ = 	snop  }
0xaf: {  	[tilespmem:s20], [sflag:$0x1] =	stream.indirect_vreg.gather [hbm4b:s3+s2], $0x80, v3, vm0, $0xb8;
	[tilespmem:$0x18080] =	vst v63  }
0xb0: {  	_ = 	snop  }
0xb1: {  	[tilespmem:s21], [sflag:$0x1] =	stream.indirect_vreg.gather [hbm4b:s4+s2], $0x80, v3, vm0, $0xb8;
	[tilespmem:$0x18080] =	vst v63  }
0xb2: {  	_ = 	snop  }
0xb3: {  	[tilespmem:s22], [sflag:$0x1] =	stream.indirect_vreg.gather [hbm4b:s5+s2], $0x80, v3, vm0, $0xb8;
	[tilespmem:$0x18080] =	vst v63  }
0xb4: {  	v3 =	vld [tilespmem:$0x70];
	_ =	sdelay $0x4  }
0xb5: {  	v63 =	vshrl.u32 v3, $0x3  }
0xb6: {  	v4 =	vmul.u32 $0x30, v63  }
0xb7: {  	v3 =	vand.u32 $0x7, v3  }
0xb8: {  	v3 =	vor.u32 v3, v4  }
0xb9: {  	v4 =	vperm.xlane v3, v0;
	_ =	sdelay $0x1  }
0xba: {  	v4 =	vadd.s32 v1, v4;
	_ =	sdelay $0x3  }
0xbb: {  	v3 =	vperm.xlane v3, v2  }
0xbc: {  	[tilespmem:s23], [sflag:$0x1] =	stream.indirect_vreg.gather [hbm4b:s3+s2], $0x80, v4, vm0, $0xb8;
	[tilespmem:$0x18080] =	vst v63  }
0xbd: {  	v3 =	vadd.s32 v1, v3  }
0xbe: {  	[tilespmem:s24], [sflag:$0x1] =	stream.indirect_vreg.gather [hbm4b:s4+s2], $0x80, v4, vm0, $0xb8;
	[tilespmem:$0x18080] =	vst v63  }
0xbf: {  	_ = 	snop  }
0xc0: {  	[tilespmem:s25], [sflag:$0x1] =	stream.indirect_vreg.gather [hbm4b:s5+s2], $0x80, v4, vm0, $0xb8;
	[tilespmem:$0x18080] =	vst v63  }
0xc1: {  	_ = 	snop  }
0xc2: {  	[tilespmem:s26], [sflag:$0x1] =	stream.indirect_vreg.gather [hbm4b:s3+s2], $0x80, v3, vm0, $0xb8;
	[tilespmem:$0x18080] =	vst v63  }
0xc3: {  	_ = 	snop  }
0xc4: {  	[tilespmem:s28], [sflag:$0x1] =	stream.indirect_vreg.gather [hbm4b:s4+s2], $0x80, v3, vm0, $0xb8;
	[tilespmem:$0x18080] =	vst v63  }
0xc5: {  	_ = 	snop  }
0xc6: {  	[tilespmem:s29], [sflag:$0x1] =	stream.indirect_vreg.gather [hbm4b:s5+s2], $0x80, v3, vm0, $0xb8;
	[tilespmem:$0x18080] =	vst v63  }
0xc7: {  	_ =	swait.ge [sflag:s30], $0x18000  }
0xc8: {  	p0 =	sne.s32 s1, $0x3F0;
	[sflag:s30] =	ssyncset.done $0x0  }
.Ltmp0:
0xc9: {  	[sflag:s30] =	ssyncadd.s32 $0xFFFE8000;
	(pc) =	sbr.rel @p0 .LBB2_2-.Ltmp0, $4  }
0xca: {  	[hbm4b:s7+s2] =	stream.linear.scatter [tilespmem:s9], [sflag:$0x2], $0x18000, $0x38;
	[tilespmem:$0x18080] =	vst v63  }
0xcb: {  	_ =	swait.ge [sflag:s8], $0x18000  }
0xcc: {  	[sflag:s8] =	ssyncset.done $0x0  }
0xcd: {  	s1 =	sadd.s32 $0x10, s1;
	s7 =	sadd.s32 $0x3000, s7;
	[sflag:s8] =	ssyncadd.s32 $0xFFFE8000  }
0xce: {  	s0 =	sld [smem:$0x7FC];
	_ =	sdelay $0x1  }
0xcf: {  	s31 =	sadd.s32 $0x1, s31  }
0xd0: {  	p0 =	sne.s32 s31, s0  }
.Ltmp1:
0xd1: {  	_ = 	snop;
	(pc) =	sbr.rel @p0 .LBB2_1-.Ltmp1, $1  }
0xd2: {  	_ =	sdelay $0x3  }
0xd3: {  	_ =	sfence.sel $0x180000  }
0xd4: {  	[bflag:$0x0] =	sbarrier.arrive $0xFFFF  }
0xd5: {  	_ =	strace $0x90000047  }
0xd6: {  	s0 =	stileid.u32;
	[bflag:$0x2] =	sbarrier.arrive $0xFFFF  }
0xd7: {  	p0 =	sne.s32 s0, $0x0;
	s0 =	rddreg [dreg:$0x2]  }
0xd8: {  	s0 =	sadd.s32 @!p0 $0x100000, s0  }
0xd9: {  	[sflag:s0] =	ssyncadd.tile.s32 @!p0 $0x1;
	_ =	shalt  }
.Lfunc_end2:
_tile_overlayer_lowered:
.L_overlay_start_2:
0xda: {  	(tag) =	ssettag $0x2  }
0xdb: {  	s0 =	rddreg [dreg:$0x0];
	s2 =	stileid.u32  }
0xdc: {  	s1 =	rddreg [dreg:$0x1];
	p0 =	sne.s32 s2, $0x0  }
0xdd: {  	s3 =	rddreg [dreg:$0x2];
	[bflag:$0x3] =	sbarrier.arrive $0xFFFF;
	s2 =	simm.s32 @!p0 $0x1C02  }
0xde: {  	[timem:s3], [sflag:s2] =	dma.local @!p0 [hbm:s0], s1  }
0xdf: {  	s0 =	simm.s32 @!p0 $0x2  }
0xe0: {  	_ =	swait.ge @!p0 [sflag:s0], s1  }
0xe1: {  	s1 =	ssub.s32 @!p0 $0x0, s1;
	[sflag:s0] =	ssyncset.done @!p0 $0x0  }
0xe2: {  	[sflag:s0] =	ssyncadd.s32 @!p0 s1  }
0xe3: {  	[bflag:$0x3] =	sbarrier.arrive $0xFFFF  }
0xe4: {  	_ =	shalt  }

</sc_bundles>
